<compile_context>
chip_gen: v7x
topology: tpu7x:2x2x1
jax: 0.10.2.dev20260603
libtpu: 0.0.44.dev20260713+nightly
codegen_flags: <defaults>
</compile_context>

<pallas_src>
import functools
import jax
import jax.numpy as jnp
from jax import lax
from jax.experimental import pallas as pl
from jax.experimental.pallas import tpu as pltpu
from jax.experimental.pallas import tpu_sc as plsc

_NC = 2
_NS = 16
_NW = _NC * _NS
_CHUNK = 128


def _gather(weight, idx2):
    F, B = idx2.shape
    D = weight.shape[1]
    n_chunks = F
    NBUF = 4
    n_main = n_chunks // NBUF

    mesh = plsc.VectorSubcoreMesh(core_axis_name="c", subcore_axis_name="s")

    @functools.partial(
        pl.kernel,
        mesh=mesh,
        out_type=jax.ShapeDtypeStruct((F * B, D), jnp.float32),
        scratch_types=[
            pltpu.VMEM((F, _CHUNK), jnp.int32),
        ]
        + [pltpu.VMEM((_CHUNK, D), jnp.float32)] * NBUF
        + [pltpu.SemaphoreType.DMA] * (2 * NBUF),
    )
    def k(idx_hbm, table_hbm, out_hbm, idx_v, *bufs_sems):
        bufs = bufs_sems[:NBUF]
        gsem = bufs_sems[NBUF : 2 * NBUF]
        wsem = bufs_sems[2 * NBUF :]
        wid = lax.axis_index("s") * _NC + lax.axis_index("c")
        col0 = wid * _CHUNK
        pltpu.sync_copy(idx_hbm.at[pl.ds(0, F), pl.ds(col0, _CHUNK)], idx_v)

        def g_start(c, bf):
            pltpu.async_copy(table_hbm.at[idx_v.at[c]], bufs[bf], gsem[bf])

        def g_wait(bf):
            pltpu.make_async_copy(table_hbm.at[idx_v.at[0]], bufs[bf], gsem[bf]).wait()

        def w_start(c, bf):
            pltpu.async_copy(
                bufs[bf], out_hbm.at[pl.ds(c * B + col0, _CHUNK)], wsem[bf]
            )

        def w_wait(bf):
            pltpu.make_async_copy(
                bufs[bf], out_hbm.at[pl.ds(col0, _CHUNK)], wsem[bf]
            ).wait()

        for bf in range(NBUF):
            g_start(bf, bf)

        def body(g, carry):
            c0 = g * NBUF
            for bf in range(NBUF):
                g_wait(bf)
                w_start(c0 + bf, bf)
            for bf in range(NBUF):
                nc = c0 + bf + NBUF

                @pl.when(nc < n_chunks)
                def _(nc=nc, bf=bf):
                    w_wait(bf)
                    g_start(nc, bf)

            return carry

        lax.fori_loop(0, n_main, body, 0)
        for bf in range(n_chunks - n_main * NBUF):
            g_wait(bf)
            w_start(n_main * NBUF + bf, bf)
        for bf in range(NBUF):
            w_wait(bf)

    return k(idx2, weight)


def kernel(weight, indices):
    b, f = indices.shape
    d = weight.shape[1]
    idx2 = indices.T.astype(jnp.int32)
    out_flat = _gather(weight, idx2)
    return out_flat.reshape(f, b, d).transpose(1, 0, 2)

# --- scband reference (transcript-rebuilt; emitter-appended) ---
"""Pipeline reference for scband-embedding-69466801045872 (READ-ONLY COPY).

The authoritative reference and input builder live on the scoring server;
editing this copy changes nothing except your own understanding.
"""

import jax, jax.numpy as jnp
import numpy as np
import math

NUM_EMBEDDINGS = 100000
EMBEDDING_DIM = 128

def setup_inputs(seed: int = 0) -> dict:
    key = jax.random.key(seed)
    k_idx, k_w = jax.random.split(key)
    indices = jax.random.randint(k_idx, (4096, 26), 0, NUM_EMBEDDINGS, dtype=jnp.int64)
    bound = 1.0 / math.sqrt(max(1, NUM_EMBEDDINGS))
    weight = jax.random.uniform(k_w, (NUM_EMBEDDINGS, EMBEDDING_DIM), dtype=jnp.float32, minval=-bound, maxval=bound)
    return {"weight": weight, "indices": indices}

def reference(weight, indices):
    # Faithful embedding lookup: out[b, f, :] = weight[indices[b, f], :]
    original_shape = indices.shape
    indices_flat = indices.reshape(-1)
    out_flat = jnp.take(weight, indices_flat, axis=0)
    out = out_flat.reshape(*original_shape, weight.shape[1])
    return out

if __name__ == "__main__":
    import jax
    _d = setup_inputs()
    print(jax.jit(kernel)(*tuple(_d.values())))

</pallas_src>

<mosaic_0001>
#map = affine_map<(d0, d1) -> (0, 0)>
module attributes {stable_mosaic.version = 14 : i64} {
  func.func @k(%arg0: i32, %arg1: i32, %arg2: memref<26x4096xi32, #tpu.memory_space<hbm>>, %arg3: memref<100000x128xf32, #tpu.memory_space<hbm>>, %arg4: memref<106496x128xf32, #tpu.memory_space<hbm>>, %arg5: memref<26x128xi32, #tpu.memory_space<vmem>>, %arg6: memref<128x128xf32, #tpu.memory_space<vmem>>, %arg7: memref<128x128xf32, #tpu.memory_space<vmem>>, %arg8: memref<128x128xf32, #tpu.memory_space<vmem>>, %arg9: memref<128x128xf32, #tpu.memory_space<vmem>>, %arg10: memref<!tpu.dma_semaphore, #tpu.memory_space<semaphore_mem>>, %arg11: memref<!tpu.dma_semaphore, #tpu.memory_space<semaphore_mem>>, %arg12: memref<!tpu.dma_semaphore, #tpu.memory_space<semaphore_mem>>, %arg13: memref<!tpu.dma_semaphore, #tpu.memory_space<semaphore_mem>>, %arg14: memref<!tpu.dma_semaphore, #tpu.memory_space<semaphore_mem>>, %arg15: memref<!tpu.dma_semaphore, #tpu.memory_space<semaphore_mem>>, %arg16: memref<!tpu.dma_semaphore, #tpu.memory_space<semaphore_mem>>, %arg17: memref<!tpu.dma_semaphore, #tpu.memory_space<semaphore_mem>>) attributes {dimension_semantics = [#tpu.dimension_semantics<core_parallel>, #tpu.dimension_semantics<subcore_parallel>], iteration_bounds = array<i64: 2, 16>, scalar_prefetch = 0 : i64, scratch_operands = 13 : i64, tpu.core_type = #tpu.core_type<sc_vector_subcore>, window_params = [{transform_indices = #map}, {transform_indices = #map}, {transform_indices = #map}]} {
    %mul3A = arith.constant 2 : i32
    %mul3A_0 = arith.muli %arg1, %mul3A : i32
    %add3A = arith.addi %mul3A_0, %arg0 : i32
    %mul3A_1 = arith.constant 128 : i32
    %mul3A_2 = arith.muli %add3A, %mul3A_1 : i32
    "tpu.region"() ({
      %run_scoped3A = tpu.sem_alloc : memref<!tpu.dma_semaphore, #tpu.memory_space<semaphore_mem>>
      %dma_start3A_76 = arith.constant 0 : i32
      %dma_start3A_77 = tpu.memref_slice %arg2[%dma_start3A_76, %mul3A_2] : memref<26x4096xi32, #tpu.memory_space<hbm>> -> memref<26x128xi32, #tpu.memory_space<hbm>>
      %dma_start3A_78 = arith.constant 0 : i32
      %dma_start3A_79 = tpu.memref_slice %arg2[%dma_start3A_78, %mul3A_2] : memref<26x4096xi32, #tpu.memory_space<hbm>> -> memref<26x128xi32, #tpu.memory_space<hbm>>
      tpu.enqueue_dma source(%dma_start3A_79 : memref<26x128xi32, #tpu.memory_space<hbm>>) target(%arg5 : memref<26x128xi32, #tpu.memory_space<vmem>>) target_semaphore(%run_scoped3A : memref<!tpu.dma_semaphore, #tpu.memory_space<semaphore_mem>>)
      %dma_wait3A_80 = arith.constant 0 : i32
      %dma_wait3A_81 = tpu.memref_slice %arg2[%dma_wait3A_80, %mul3A_2] : memref<26x4096xi32, #tpu.memory_space<hbm>> -> memref<26x128xi32, #tpu.memory_space<hbm>>
      %dma_wait3A_82 = arith.constant 0 : i32
      %dma_wait3A_83 = tpu.memref_slice %arg2[%dma_wait3A_82, %mul3A_2] : memref<26x4096xi32, #tpu.memory_space<hbm>> -> memref<26x128xi32, #tpu.memory_space<hbm>>
      tpu.wait_dma2 semaphore(%run_scoped3A : memref<!tpu.dma_semaphore, #tpu.memory_space<semaphore_mem>>) src(%dma_wait3A_83 : memref<26x128xi32, #tpu.memory_space<hbm>>) dst(%arg5 : memref<26x128xi32, #tpu.memory_space<vmem>>)
      tpu.yield
    }) : () -> ()
    %dma_start3A = arith.constant 0 : i32
    %dma_start3A_3 = arith.constant 0 : i32
    %dma_start3A_4 = tpu.memref_slice %arg5[%dma_start3A, %dma_start3A_3] : memref<26x128xi32, #tpu.memory_space<vmem>> -> memref<1x128xi32, #tpu.memory_space<vmem>>
    %dma_start3A_5 = tpu.memref_squeeze %dma_start3A_4 : memref<1x128xi32, #tpu.memory_space<vmem>> -> memref<128xi32, #tpu.memory_space<vmem>>
    %dma_start3A_6 = arith.constant 0 : i32
    %dma_start3A_7 = arith.constant 0 : i32
    %dma_start3A_8 = tpu.memref_slice %arg3[%dma_start3A_6, %dma_start3A_7] : memref<100000x128xf32, #tpu.memory_space<hbm>> -> memref<100000x128xf32, #tpu.memory_space<hbm>>
    tpu.enqueue_indirect_dma source(%dma_start3A_8 : memref<100000x128xf32, #tpu.memory_space<hbm>>) target(%arg6 : memref<128x128xf32, #tpu.memory_space<vmem>>) offsets(%dma_start3A_5 : memref<128xi32, #tpu.memory_space<vmem>>) semaphore(%arg10 : memref<!tpu.dma_semaphore, #tpu.memory_space<semaphore_mem>>)
    %dma_start3A_9 = arith.constant 1 : i32
    %dma_start3A_10 = arith.constant 0 : i32
    %dma_start3A_11 = tpu.memref_slice %arg5[%dma_start3A_9, %dma_start3A_10] : memref<26x128xi32, #tpu.memory_space<vmem>> -> memref<1x128xi32, #tpu.memory_space<vmem>>
    %dma_start3A_12 = tpu.memref_squeeze %dma_start3A_11 : memref<1x128xi32, #tpu.memory_space<vmem>> -> memref<128xi32, #tpu.memory_space<vmem>>
    %dma_start3A_13 = arith.constant 0 : i32
    %dma_start3A_14 = arith.constant 0 : i32
    %dma_start3A_15 = tpu.memref_slice %arg3[%dma_start3A_13, %dma_start3A_14] : memref<100000x128xf32, #tpu.memory_space<hbm>> -> memref<100000x128xf32, #tpu.memory_space<hbm>>
    tpu.enqueue_indirect_dma source(%dma_start3A_15 : memref<100000x128xf32, #tpu.memory_space<hbm>>) target(%arg7 : memref<128x128xf32, #tpu.memory_space<vmem>>) offsets(%dma_start3A_12 : memref<128xi32, #tpu.memory_space<vmem>>) semaphore(%arg11 : memref<!tpu.dma_semaphore, #tpu.memory_space<semaphore_mem>>)
    %dma_start3A_16 = arith.constant 2 : i32
    %dma_start3A_17 = arith.constant 0 : i32
    %dma_start3A_18 = tpu.memref_slice %arg5[%dma_start3A_16, %dma_start3A_17] : memref<26x128xi32, #tpu.memory_space<vmem>> -> memref<1x128xi32, #tpu.memory_space<vmem>>
    %dma_start3A_19 = tpu.memref_squeeze %dma_start3A_18 : memref<1x128xi32, #tpu.memory_space<vmem>> -> memref<128xi32, #tpu.memory_space<vmem>>
    %dma_start3A_20 = arith.constant 0 : i32
    %dma_start3A_21 = arith.constant 0 : i32
    %dma_start3A_22 = tpu.memref_slice %arg3[%dma_start3A_20, %dma_start3A_21] : memref<100000x128xf32, #tpu.memory_space<hbm>> -> memref<100000x128xf32, #tpu.memory_space<hbm>>
    tpu.enqueue_indirect_dma source(%dma_start3A_22 : memref<100000x128xf32, #tpu.memory_space<hbm>>) target(%arg8 : memref<128x128xf32, #tpu.memory_space<vmem>>) offsets(%dma_start3A_19 : memref<128xi32, #tpu.memory_space<vmem>>) semaphore(%arg12 : memref<!tpu.dma_semaphore, #tpu.memory_space<semaphore_mem>>)
    %dma_start3A_23 = arith.constant 3 : i32
    %dma_start3A_24 = arith.constant 0 : i32
    %dma_start3A_25 = tpu.memref_slice %arg5[%dma_start3A_23, %dma_start3A_24] : memref<26x128xi32, #tpu.memory_space<vmem>> -> memref<1x128xi32, #tpu.memory_space<vmem>>
    %dma_start3A_26 = tpu.memref_squeeze %dma_start3A_25 : memref<1x128xi32, #tpu.memory_space<vmem>> -> memref<128xi32, #tpu.memory_space<vmem>>
    %dma_start3A_27 = arith.constant 0 : i32
    %dma_start3A_28 = arith.constant 0 : i32
    %dma_start3A_29 = tpu.memref_slice %arg3[%dma_start3A_27, %dma_start3A_28] : memref<100000x128xf32, #tpu.memory_space<hbm>> -> memref<100000x128xf32, #tpu.memory_space<hbm>>
    tpu.enqueue_indirect_dma source(%dma_start3A_29 : memref<100000x128xf32, #tpu.memory_space<hbm>>) target(%arg9 : memref<128x128xf32, #tpu.memory_space<vmem>>) offsets(%dma_start3A_26 : memref<128xi32, #tpu.memory_space<vmem>>) semaphore(%arg13 : memref<!tpu.dma_semaphore, #tpu.memory_space<semaphore_mem>>)
    %scan3A = arith.constant 0 : i32
    %scan3A_30 = arith.constant 0 : i32
    %scan3A_31 = arith.constant 6 : i32
    %scan3A_32 = arith.addi %scan3A_30, %scan3A_31 : i32
    %scan3A_33 = arith.constant 1 : i32
    scf.for %scan3A_76 = %scan3A_30 to %scan3A_32 step %scan3A_33  : i32 {
      %mul3A_77 = arith.constant 4 : i32
      %mul3A_78 = arith.muli %scan3A_76, %mul3A_77 : i32
      %dma_wait3A_79 = arith.constant 0 : i32
      %dma_wait3A_80 = arith.constant 0 : i32
      %dma_wait3A_81 = tpu.memref_slice %arg5[%dma_wait3A_79, %dma_wait3A_80] : memref<26x128xi32, #tpu.memory_space<vmem>> -> memref<1x128xi32, #tpu.memory_space<vmem>>
      %dma_wait3A_82 = tpu.memref_squeeze %dma_wait3A_81 : memref<1x128xi32, #tpu.memory_space<vmem>> -> memref<128xi32, #tpu.memory_space<vmem>>
      %dma_wait3A_83 = arith.constant 0 : i32
      %dma_wait3A_84 = arith.constant 0 : i32
      %dma_wait3A_85 = tpu.memref_slice %arg3[%dma_wait3A_83, %dma_wait3A_84] : memref<100000x128xf32, #tpu.memory_space<hbm>> -> memref<100000x128xf32, #tpu.memory_space<hbm>>
      tpu.wait_indirect_dma semaphore(%arg10 : memref<!tpu.dma_semaphore, #tpu.memory_space<semaphore_mem>>) src(%dma_wait3A_85 : memref<100000x128xf32, #tpu.memory_space<hbm>>) dst(%arg6 : memref<128x128xf32, #tpu.memory_space<vmem>>)
      %add3A_86 = arith.constant 0 : i32
      %add3A_87 = arith.addi %mul3A_78, %add3A_86 : i32
      %mul3A_88 = arith.constant 4096 : i32
      %mul3A_89 = arith.muli %add3A_87, %mul3A_88 : i32
      %add3A_90 = arith.addi %mul3A_89, %mul3A_2 : i32
      %dma_start3A_91 = arith.constant 0 : i32
      %dma_start3A_92 = tpu.memref_slice %arg4[%add3A_90, %dma_start3A_91] : memref<106496x128xf32, #tpu.memory_space<hbm>> -> memref<128x128xf32, #tpu.memory_space<hbm>>
      %dma_start3A_93 = arith.constant 0 : i32
      %dma_start3A_94 = tpu.memref_slice %arg4[%add3A_90, %dma_start3A_93] : memref<106496x128xf32, #tpu.memory_space<hbm>> -> memref<128x128xf32, #tpu.memory_space<hbm>>
      tpu.enqueue_dma source(%arg6 : memref<128x128xf32, #tpu.memory_space<vmem>>) target(%dma_start3A_94 : memref<128x128xf32, #tpu.memory_space<hbm>>) target_semaphore(%arg14 : memref<!tpu.dma_semaphore, #tpu.memory_space<semaphore_mem>>)
      %dma_wait3A_95 = arith.constant 0 : i32
      %dma_wait3A_96 = arith.constant 0 : i32
      %dma_wait3A_97 = tpu.memref_slice %arg5[%dma_wait3A_95, %dma_wait3A_96] : memref<26x128xi32, #tpu.memory_space<vmem>> -> memref<1x128xi32, #tpu.memory_space<vmem>>
      %dma_wait3A_98 = tpu.memref_squeeze %dma_wait3A_97 : memref<1x128xi32, #tpu.memory_space<vmem>> -> memref<128xi32, #tpu.memory_space<vmem>>
      %dma_wait3A_99 = arith.constant 0 : i32
      %dma_wait3A_100 = arith.constant 0 : i32
      %dma_wait3A_101 = tpu.memref_slice %arg3[%dma_wait3A_99, %dma_wait3A_100] : memref<100000x128xf32, #tpu.memory_space<hbm>> -> memref<100000x128xf32, #tpu.memory_space<hbm>>
      tpu.wait_indirect_dma semaphore(%arg11 : memref<!tpu.dma_semaphore, #tpu.memory_space<semaphore_mem>>) src(%dma_wait3A_101 : memref<100000x128xf32, #tpu.memory_space<hbm>>) dst(%arg7 : memref<128x128xf32, #tpu.memory_space<vmem>>)
      %add3A_102 = arith.constant 1 : i32
      %add3A_103 = arith.addi %mul3A_78, %add3A_102 : i32
      %mul3A_104 = arith.constant 4096 : i32
      %mul3A_105 = arith.muli %add3A_103, %mul3A_104 : i32
      %add3A_106 = arith.addi %mul3A_105, %mul3A_2 : i32
      %dma_start3A_107 = arith.constant 0 : i32
      %dma_start3A_108 = tpu.memref_slice %arg4[%add3A_106, %dma_start3A_107] : memref<106496x128xf32, #tpu.memory_space<hbm>> -> memref<128x128xf32, #tpu.memory_space<hbm>>
      %dma_start3A_109 = arith.constant 0 : i32
      %dma_start3A_110 = tpu.memref_slice %arg4[%add3A_106, %dma_start3A_109] : memref<106496x128xf32, #tpu.memory_space<hbm>> -> memref<128x128xf32, #tpu.memory_space<hbm>>
      tpu.enqueue_dma source(%arg7 : memref<128x128xf32, #tpu.memory_space<vmem>>) target(%dma_start3A_110 : memref<128x128xf32, #tpu.memory_space<hbm>>) target_semaphore(%arg15 : memref<!tpu.dma_semaphore, #tpu.memory_space<semaphore_mem>>)
      %dma_wait3A_111 = arith.constant 0 : i32
      %dma_wait3A_112 = arith.constant 0 : i32
      %dma_wait3A_113 = tpu.memref_slice %arg5[%dma_wait3A_111, %dma_wait3A_112] : memref<26x128xi32, #tpu.memory_space<vmem>> -> memref<1x128xi32, #tpu.memory_space<vmem>>
      %dma_wait3A_114 = tpu.memref_squeeze %dma_wait3A_113 : memref<1x128xi32, #tpu.memory_space<vmem>> -> memref<128xi32, #tpu.memory_space<vmem>>
      %dma_wait3A_115 = arith.constant 0 : i32
      %dma_wait3A_116 = arith.constant 0 : i32
      %dma_wait3A_117 = tpu.memref_slice %arg3[%dma_wait3A_115, %dma_wait3A_116] : memref<100000x128xf32, #tpu.memory_space<hbm>> -> memref<100000x128xf32, #tpu.memory_space<hbm>>
      tpu.wait_indirect_dma semaphore(%arg12 : memref<!tpu.dma_semaphore, #tpu.memory_space<semaphore_mem>>) src(%dma_wait3A_117 : memref<100000x128xf32, #tpu.memory_space<hbm>>) dst(%arg8 : memref<128x128xf32, #tpu.memory_space<vmem>>)
      %add3A_118 = arith.constant 2 : i32
      %add3A_119 = arith.addi %mul3A_78, %add3A_118 : i32
      %mul3A_120 = arith.constant 4096 : i32
      %mul3A_121 = arith.muli %add3A_119, %mul3A_120 : i32
      %add3A_122 = arith.addi %mul3A_121, %mul3A_2 : i32
      %dma_start3A_123 = arith.constant 0 : i32
      %dma_start3A_124 = tpu.memref_slice %arg4[%add3A_122, %dma_start3A_123] : memref<106496x128xf32, #tpu.memory_space<hbm>> -> memref<128x128xf32, #tpu.memory_space<hbm>>
      %dma_start3A_125 = arith.constant 0 : i32
      %dma_start3A_126 = tpu.memref_slice %arg4[%add3A_122, %dma_start3A_125] : memref<106496x128xf32, #tpu.memory_space<hbm>> -> memref<128x128xf32, #tpu.memory_space<hbm>>
      tpu.enqueue_dma source(%arg8 : memref<128x128xf32, #tpu.memory_space<vmem>>) target(%dma_start3A_126 : memref<128x128xf32, #tpu.memory_space<hbm>>) target_semaphore(%arg16 : memref<!tpu.dma_semaphore, #tpu.memory_space<semaphore_mem>>)
      %dma_wait3A_127 = arith.constant 0 : i32
      %dma_wait3A_128 = arith.constant 0 : i32
      %dma_wait3A_129 = tpu.memref_slice %arg5[%dma_wait3A_127, %dma_wait3A_128] : memref<26x128xi32, #tpu.memory_space<vmem>> -> memref<1x128xi32, #tpu.memory_space<vmem>>
      %dma_wait3A_130 = tpu.memref_squeeze %dma_wait3A_129 : memref<1x128xi32, #tpu.memory_space<vmem>> -> memref<128xi32, #tpu.memory_space<vmem>>
      %dma_wait3A_131 = arith.constant 0 : i32
      %dma_wait3A_132 = arith.constant 0 : i32
      %dma_wait3A_133 = tpu.memref_slice %arg3[%dma_wait3A_131, %dma_wait3A_132] : memref<100000x128xf32, #tpu.memory_space<hbm>> -> memref<100000x128xf32, #tpu.memory_space<hbm>>
      tpu.wait_indirect_dma semaphore(%arg13 : memref<!tpu.dma_semaphore, #tpu.memory_space<semaphore_mem>>) src(%dma_wait3A_133 : memref<100000x128xf32, #tpu.memory_space<hbm>>) dst(%arg9 : memref<128x128xf32, #tpu.memory_space<vmem>>)
      %add3A_134 = arith.constant 3 : i32
      %add3A_135 = arith.addi %mul3A_78, %add3A_134 : i32
      %mul3A_136 = arith.constant 4096 : i32
      %mul3A_137 = arith.muli %add3A_135, %mul3A_136 : i32
      %add3A_138 = arith.addi %mul3A_137, %mul3A_2 : i32
      %dma_start3A_139 = arith.constant 0 : i32
      %dma_start3A_140 = tpu.memref_slice %arg4[%add3A_138, %dma_start3A_139] : memref<106496x128xf32, #tpu.memory_space<hbm>> -> memref<128x128xf32, #tpu.memory_space<hbm>>
      %dma_start3A_141 = arith.constant 0 : i32
      %dma_start3A_142 = tpu.memref_slice %arg4[%add3A_138, %dma_start3A_141] : memref<106496x128xf32, #tpu.memory_space<hbm>> -> memref<128x128xf32, #tpu.memory_space<hbm>>
      tpu.enqueue_dma source(%arg9 : memref<128x128xf32, #tpu.memory_space<vmem>>) target(%dma_start3A_142 : memref<128x128xf32, #tpu.memory_space<hbm>>) target_semaphore(%arg17 : memref<!tpu.dma_semaphore, #tpu.memory_space<semaphore_mem>>)
      %add3A_143 = arith.constant 0 : i32
      %add3A_144 = arith.addi %mul3A_78, %add3A_143 : i32
      %add3A_145 = arith.constant 4 : i32
      %add3A_146 = arith.addi %add3A_144, %add3A_145 : i32
      %lt3A = arith.constant 26 : i32
      %lt3A_147 = arith.cmpi slt, %add3A_146, %lt3A : i32
      %convert_element_type3A = arith.extui %lt3A_147 : i1 to i32
      %cond3A = arith.constant 0 : i32
      %cond3A_148 = arith.cmpi ne, %convert_element_type3A, %cond3A : i32
      scf.if %cond3A_148 {
        %dma_wait3A_176 = arith.constant 0 : i32
        %dma_wait3A_177 = tpu.memref_slice %arg4[%mul3A_2, %dma_wait3A_176] : memref<106496x128xf32, #tpu.memory_space<hbm>> -> memref<128x128xf32, #tpu.memory_space<hbm>>
        %dma_wait3A_178 = arith.constant 0 : i32
        %dma_wait3A_179 = tpu.memref_slice %arg4[%mul3A_2, %dma_wait3A_178] : memref<106496x128xf32, #tpu.memory_space<hbm>> -> memref<128x128xf32, #tpu.memory_space<hbm>>
        tpu.wait_dma2 semaphore(%arg14 : memref<!tpu.dma_semaphore, #tpu.memory_space<semaphore_mem>>) src(%arg6 : memref<128x128xf32, #tpu.memory_space<vmem>>) dst(%dma_wait3A_179 : memref<128x128xf32, #tpu.memory_space<hbm>>)
        %dma_start3A_180 = arith.constant 0 : i32
        %dma_start3A_181 = tpu.memref_slice %arg5[%add3A_146, %dma_start3A_180] : memref<26x128xi32, #tpu.memory_space<vmem>> -> memref<1x128xi32, #tpu.memory_space<vmem>>
        %dma_start3A_182 = tpu.memref_squeeze %dma_start3A_181 : memref<1x128xi32, #tpu.memory_space<vmem>> -> memref<128xi32, #tpu.memory_space<vmem>>
        %dma_start3A_183 = arith.constant 0 : i32
        %dma_start3A_184 = arith.constant 0 : i32
        %dma_start3A_185 = tpu.memref_slice %arg3[%dma_start3A_183, %dma_start3A_184] : memref<100000x128xf32, #tpu.memory_space<hbm>> -> memref<100000x128xf32, #tpu.memory_space<hbm>>
        tpu.enqueue_indirect_dma source(%dma_start3A_185 : memref<100000x128xf32, #tpu.memory_space<hbm>>) target(%arg6 : memref<128x128xf32, #tpu.memory_space<vmem>>) offsets(%dma_start3A_182 : memref<128xi32, #tpu.memory_space<vmem>>) semaphore(%arg10 : memref<!tpu.dma_semaphore, #tpu.memory_space<semaphore_mem>>)
      } else {
      }
      %add3A_149 = arith.constant 1 : i32
      %add3A_150 = arith.addi %mul3A_78, %add3A_149 : i32
      %add3A_151 = arith.constant 4 : i32
      %add3A_152 = arith.addi %add3A_150, %add3A_151 : i32
      %lt3A_153 = arith.constant 26 : i32
      %lt3A_154 = arith.cmpi slt, %add3A_152, %lt3A_153 : i32
      %convert_element_type3A_155 = arith.extui %lt3A_154 : i1 to i32
      %cond3A_156 = arith.constant 0 : i32
      %cond3A_157 = arith.cmpi ne, %convert_element_type3A_155, %cond3A_156 : i32
      scf.if %cond3A_157 {
        %dma_wait3A_176 = arith.constant 0 : i32
        %dma_wait3A_177 = tpu.memref_slice %arg4[%mul3A_2, %dma_wait3A_176] : memref<106496x128xf32, #tpu.memory_space<hbm>> -> memref<128x128xf32, #tpu.memory_space<hbm>>
        %dma_wait3A_178 = arith.constant 0 : i32
        %dma_wait3A_179 = tpu.memref_slice %arg4[%mul3A_2, %dma_wait3A_178] : memref<106496x128xf32, #tpu.memory_space<hbm>> -> memref<128x128xf32, #tpu.memory_space<hbm>>
        tpu.wait_dma2 semaphore(%arg15 : memref<!tpu.dma_semaphore, #tpu.memory_space<semaphore_mem>>) src(%arg7 : memref<128x128xf32, #tpu.memory_space<vmem>>) dst(%dma_wait3A_179 : memref<128x128xf32, #tpu.memory_space<hbm>>)
        %dma_start3A_180 = arith.constant 0 : i32
        %dma_start3A_181 = tpu.memref_slice %arg5[%add3A_152, %dma_start3A_180] : memref<26x128xi32, #tpu.memory_space<vmem>> -> memref<1x128xi32, #tpu.memory_space<vmem>>
        %dma_start3A_182 = tpu.memref_squeeze %dma_start3A_181 : memref<1x128xi32, #tpu.memory_space<vmem>> -> memref<128xi32, #tpu.memory_space<vmem>>
        %dma_start3A_183 = arith.constant 0 : i32
        %dma_start3A_184 = arith.constant 0 : i32
        %dma_start3A_185 = tpu.memref_slice %arg3[%dma_start3A_183, %dma_start3A_184] : memref<100000x128xf32, #tpu.memory_space<hbm>> -> memref<100000x128xf32, #tpu.memory_space<hbm>>
        tpu.enqueue_indirect_dma source(%dma_start3A_185 : memref<100000x128xf32, #tpu.memory_space<hbm>>) target(%arg7 : memref<128x128xf32, #tpu.memory_space<vmem>>) offsets(%dma_start3A_182 : memref<128xi32, #tpu.memory_space<vmem>>) semaphore(%arg11 : memref<!tpu.dma_semaphore, #tpu.memory_space<semaphore_mem>>)
      } else {
      }
      %add3A_158 = arith.constant 2 : i32
      %add3A_159 = arith.addi %mul3A_78, %add3A_158 : i32
      %add3A_160 = arith.constant 4 : i32
      %add3A_161 = arith.addi %add3A_159, %add3A_160 : i32
      %lt3A_162 = arith.constant 26 : i32
      %lt3A_163 = arith.cmpi slt, %add3A_161, %lt3A_162 : i32
      %convert_element_type3A_164 = arith.extui %lt3A_163 : i1 to i32
      %cond3A_165 = arith.constant 0 : i32
      %cond3A_166 = arith.cmpi ne, %convert_element_type3A_164, %cond3A_165 : i32
      scf.if %cond3A_166 {
        %dma_wait3A_176 = arith.constant 0 : i32
        %dma_wait3A_177 = tpu.memref_slice %arg4[%mul3A_2, %dma_wait3A_176] : memref<106496x128xf32, #tpu.memory_space<hbm>> -> memref<128x128xf32, #tpu.memory_space<hbm>>
        %dma_wait3A_178 = arith.constant 0 : i32
        %dma_wait3A_179 = tpu.memref_slice %arg4[%mul3A_2, %dma_wait3A_178] : memref<106496x128xf32, #tpu.memory_space<hbm>> -> memref<128x128xf32, #tpu.memory_space<hbm>>
        tpu.wait_dma2 semaphore(%arg16 : memref<!tpu.dma_semaphore, #tpu.memory_space<semaphore_mem>>) src(%arg8 : memref<128x128xf32, #tpu.memory_space<vmem>>) dst(%dma_wait3A_179 : memref<128x128xf32, #tpu.memory_space<hbm>>)
        %dma_start3A_180 = arith.constant 0 : i32
        %dma_start3A_181 = tpu.memref_slice %arg5[%add3A_161, %dma_start3A_180] : memref<26x128xi32, #tpu.memory_space<vmem>> -> memref<1x128xi32, #tpu.memory_space<vmem>>
        %dma_start3A_182 = tpu.memref_squeeze %dma_start3A_181 : memref<1x128xi32, #tpu.memory_space<vmem>> -> memref<128xi32, #tpu.memory_space<vmem>>
        %dma_start3A_183 = arith.constant 0 : i32
        %dma_start3A_184 = arith.constant 0 : i32
        %dma_start3A_185 = tpu.memref_slice %arg3[%dma_start3A_183, %dma_start3A_184] : memref<100000x128xf32, #tpu.memory_space<hbm>> -> memref<100000x128xf32, #tpu.memory_space<hbm>>
        tpu.enqueue_indirect_dma source(%dma_start3A_185 : memref<100000x128xf32, #tpu.memory_space<hbm>>) target(%arg8 : memref<128x128xf32, #tpu.memory_space<vmem>>) offsets(%dma_start3A_182 : memref<128xi32, #tpu.memory_space<vmem>>) semaphore(%arg12 : memref<!tpu.dma_semaphore, #tpu.memory_space<semaphore_mem>>)
      } else {
      }
      %add3A_167 = arith.constant 3 : i32
      %add3A_168 = arith.addi %mul3A_78, %add3A_167 : i32
      %add3A_169 = arith.constant 4 : i32
      %add3A_170 = arith.addi %add3A_168, %add3A_169 : i32
      %lt3A_171 = arith.constant 26 : i32
      %lt3A_172 = arith.cmpi slt, %add3A_170, %lt3A_171 : i32
      %convert_element_type3A_173 = arith.extui %lt3A_172 : i1 to i32
      %cond3A_174 = arith.constant 0 : i32
      %cond3A_175 = arith.cmpi ne, %convert_element_type3A_173, %cond3A_174 : i32
      scf.if %cond3A_175 {
        %dma_wait3A_176 = arith.constant 0 : i32
        %dma_wait3A_177 = tpu.memref_slice %arg4[%mul3A_2, %dma_wait3A_176] : memref<106496x128xf32, #tpu.memory_space<hbm>> -> memref<128x128xf32, #tpu.memory_space<hbm>>
        %dma_wait3A_178 = arith.constant 0 : i32
        %dma_wait3A_179 = tpu.memref_slice %arg4[%mul3A_2, %dma_wait3A_178] : memref<106496x128xf32, #tpu.memory_space<hbm>> -> memref<128x128xf32, #tpu.memory_space<hbm>>
        tpu.wait_dma2 semaphore(%arg17 : memref<!tpu.dma_semaphore, #tpu.memory_space<semaphore_mem>>) src(%arg9 : memref<128x128xf32, #tpu.memory_space<vmem>>) dst(%dma_wait3A_179 : memref<128x128xf32, #tpu.memory_space<hbm>>)
        %dma_start3A_180 = arith.constant 0 : i32
        %dma_start3A_181 = tpu.memref_slice %arg5[%add3A_170, %dma_start3A_180] : memref<26x128xi32, #tpu.memory_space<vmem>> -> memref<1x128xi32, #tpu.memory_space<vmem>>
        %dma_start3A_182 = tpu.memref_squeeze %dma_start3A_181 : memref<1x128xi32, #tpu.memory_space<vmem>> -> memref<128xi32, #tpu.memory_space<vmem>>
        %dma_start3A_183 = arith.constant 0 : i32
        %dma_start3A_184 = arith.constant 0 : i32
        %dma_start3A_185 = tpu.memref_slice %arg3[%dma_start3A_183, %dma_start3A_184] : memref<100000x128xf32, #tpu.memory_space<hbm>> -> memref<100000x128xf32, #tpu.memory_space<hbm>>
        tpu.enqueue_indirect_dma source(%dma_start3A_185 : memref<100000x128xf32, #tpu.memory_space<hbm>>) target(%arg9 : memref<128x128xf32, #tpu.memory_space<vmem>>) offsets(%dma_start3A_182 : memref<128xi32, #tpu.memory_space<vmem>>) semaphore(%arg13 : memref<!tpu.dma_semaphore, #tpu.memory_space<semaphore_mem>>)
      } else {
      }
    }
    %scan3A_34 = arith.constant 6 : i32
    %dma_wait3A = arith.constant 0 : i32
    %dma_wait3A_35 = arith.constant 0 : i32
    %dma_wait3A_36 = tpu.memref_slice %arg5[%dma_wait3A, %dma_wait3A_35] : memref<26x128xi32, #tpu.memory_space<vmem>> -> memref<1x128xi32, #tpu.memory_space<vmem>>
    %dma_wait3A_37 = tpu.memref_squeeze %dma_wait3A_36 : memref<1x128xi32, #tpu.memory_space<vmem>> -> memref<128xi32, #tpu.memory_space<vmem>>
    %dma_wait3A_38 = arith.constant 0 : i32
    %dma_wait3A_39 = arith.constant 0 : i32
    %dma_wait3A_40 = tpu.memref_slice %arg3[%dma_wait3A_38, %dma_wait3A_39] : memref<100000x128xf32, #tpu.memory_space<hbm>> -> memref<100000x128xf32, #tpu.memory_space<hbm>>
    tpu.wait_indirect_dma semaphore(%arg10 : memref<!tpu.dma_semaphore, #tpu.memory_space<semaphore_mem>>) src(%dma_wait3A_40 : memref<100000x128xf32, #tpu.memory_space<hbm>>) dst(%arg6 : memref<128x128xf32, #tpu.memory_space<vmem>>)
    %add3A_41 = arith.constant 98304 : i32
    %add3A_42 = arith.addi %add3A_41, %mul3A_2 : i32
    %dma_start3A_43 = arith.constant 0 : i32
    %dma_start3A_44 = tpu.memref_slice %arg4[%add3A_42, %dma_start3A_43] : memref<106496x128xf32, #tpu.memory_space<hbm>> -> memref<128x128xf32, #tpu.memory_space<hbm>>
    %dma_start3A_45 = arith.constant 0 : i32
    %dma_start3A_46 = tpu.memref_slice %arg4[%add3A_42, %dma_start3A_45] : memref<106496x128xf32, #tpu.memory_space<hbm>> -> memref<128x128xf32, #tpu.memory_space<hbm>>
    tpu.enqueue_dma source(%arg6 : memref<128x128xf32, #tpu.memory_space<vmem>>) target(%dma_start3A_46 : memref<128x128xf32, #tpu.memory_space<hbm>>) target_semaphore(%arg14 : memref<!tpu.dma_semaphore, #tpu.memory_space<semaphore_mem>>)
    %dma_wait3A_47 = arith.constant 0 : i32
    %dma_wait3A_48 = arith.constant 0 : i32
    %dma_wait3A_49 = tpu.memref_slice %arg5[%dma_wait3A_47, %dma_wait3A_48] : memref<26x128xi32, #tpu.memory_space<vmem>> -> memref<1x128xi32, #tpu.memory_space<vmem>>
    %dma_wait3A_50 = tpu.memref_squeeze %dma_wait3A_49 : memref<1x128xi32, #tpu.memory_space<vmem>> -> memref<128xi32, #tpu.memory_space<vmem>>
    %dma_wait3A_51 = arith.constant 0 : i32
    %dma_wait3A_52 = arith.constant 0 : i32
    %dma_wait3A_53 = tpu.memref_slice %arg3[%dma_wait3A_51, %dma_wait3A_52] : memref<100000x128xf32, #tpu.memory_space<hbm>> -> memref<100000x128xf32, #tpu.memory_space<hbm>>
    tpu.wait_indirect_dma semaphore(%arg11 : memref<!tpu.dma_semaphore, #tpu.memory_space<semaphore_mem>>) src(%dma_wait3A_53 : memref<100000x128xf32, #tpu.memory_space<hbm>>) dst(%arg7 : memref<128x128xf32, #tpu.memory_space<vmem>>)
    %add3A_54 = arith.constant 102400 : i32
    %add3A_55 = arith.addi %add3A_54, %mul3A_2 : i32
    %dma_start3A_56 = arith.constant 0 : i32
    %dma_start3A_57 = tpu.memref_slice %arg4[%add3A_55, %dma_start3A_56] : memref<106496x128xf32, #tpu.memory_space<hbm>> -> memref<128x128xf32, #tpu.memory_space<hbm>>
    %dma_start3A_58 = arith.constant 0 : i32
    %dma_start3A_59 = tpu.memref_slice %arg4[%add3A_55, %dma_start3A_58] : memref<106496x128xf32, #tpu.memory_space<hbm>> -> memref<128x128xf32, #tpu.memory_space<hbm>>
    tpu.enqueue_dma source(%arg7 : memref<128x128xf32, #tpu.memory_space<vmem>>) target(%dma_start3A_59 : memref<128x128xf32, #tpu.memory_space<hbm>>) target_semaphore(%arg15 : memref<!tpu.dma_semaphore, #tpu.memory_space<semaphore_mem>>)
    %dma_wait3A_60 = arith.constant 0 : i32
    %dma_wait3A_61 = tpu.memref_slice %arg4[%mul3A_2, %dma_wait3A_60] : memref<106496x128xf32, #tpu.memory_space<hbm>> -> memref<128x128xf32, #tpu.memory_space<hbm>>
    %dma_wait3A_62 = arith.constant 0 : i32
    %dma_wait3A_63 = tpu.memref_slice %arg4[%mul3A_2, %dma_wait3A_62] : memref<106496x128xf32, #tpu.memory_space<hbm>> -> memref<128x128xf32, #tpu.memory_space<hbm>>
    tpu.wait_dma2 semaphore(%arg14 : memref<!tpu.dma_semaphore, #tpu.memory_space<semaphore_mem>>) src(%arg6 : memref<128x128xf32, #tpu.memory_space<vmem>>) dst(%dma_wait3A_63 : memref<128x128xf32, #tpu.memory_space<hbm>>)
    %dma_wait3A_64 = arith.constant 0 : i32
    %dma_wait3A_65 = tpu.memref_slice %arg4[%mul3A_2, %dma_wait3A_64] : memref<106496x128xf32, #tpu.memory_space<hbm>> -> memref<128x128xf32, #tpu.memory_space<hbm>>
    %dma_wait3A_66 = arith.constant 0 : i32
    %dma_wait3A_67 = tpu.memref_slice %arg4[%mul3A_2, %dma_wait3A_66] : memref<106496x128xf32, #tpu.memory_space<hbm>> -> memref<128x128xf32, #tpu.memory_space<hbm>>
    tpu.wait_dma2 semaphore(%arg15 : memref<!tpu.dma_semaphore, #tpu.memory_space<semaphore_mem>>) src(%arg7 : memref<128x128xf32, #tpu.memory_space<vmem>>) dst(%dma_wait3A_67 : memref<128x128xf32, #tpu.memory_space<hbm>>)
    %dma_wait3A_68 = arith.constant 0 : i32
    %dma_wait3A_69 = tpu.memref_slice %arg4[%mul3A_2, %dma_wait3A_68] : memref<106496x128xf32, #tpu.memory_space<hbm>> -> memref<128x128xf32, #tpu.memory_space<hbm>>
    %dma_wait3A_70 = arith.constant 0 : i32
    %dma_wait3A_71 = tpu.memref_slice %arg4[%mul3A_2, %dma_wait3A_70] : memref<106496x128xf32, #tpu.memory_space<hbm>> -> memref<128x128xf32, #tpu.memory_space<hbm>>
    tpu.wait_dma2 semaphore(%arg16 : memref<!tpu.dma_semaphore, #tpu.memory_space<semaphore_mem>>) src(%arg8 : memref<128x128xf32, #tpu.memory_space<vmem>>) dst(%dma_wait3A_71 : memref<128x128xf32, #tpu.memory_space<hbm>>)
    %dma_wait3A_72 = arith.constant 0 : i32
    %dma_wait3A_73 = tpu.memref_slice %arg4[%mul3A_2, %dma_wait3A_72] : memref<106496x128xf32, #tpu.memory_space<hbm>> -> memref<128x128xf32, #tpu.memory_space<hbm>>
    %dma_wait3A_74 = arith.constant 0 : i32
    %dma_wait3A_75 = tpu.memref_slice %arg4[%mul3A_2, %dma_wait3A_74] : memref<106496x128xf32, #tpu.memory_space<hbm>> -> memref<128x128xf32, #tpu.memory_space<hbm>>
    tpu.wait_dma2 semaphore(%arg17 : memref<!tpu.dma_semaphore, #tpu.memory_space<semaphore_mem>>) src(%arg9 : memref<128x128xf32, #tpu.memory_space<vmem>>) dst(%dma_wait3A_75 : memref<128x128xf32, #tpu.memory_space<hbm>>)
    return
  }
}

</mosaic_0001>

<sc_bundles>
// kernel: kernel.3.cloned.1.call-start
scs
__scs_entry_jumppad:
0x0: {  	(pc) =	sbr.rel $0x88, $3  }
0x1: {  	(tag) =	ssettag $0x0;
	lr =	simm.s32 $0x1  }
0x2: {  	[smem:$0x3F9F] =	sst lr;
	_ =	strace $0xD0000000  }
0x3: {  	_ = 	snop  }
0x4: {  	_ = 	snop  }
0x5: {  	_ = 	snop  }
0x6: {  	_ = 	snop  }
0x7: {  	_ = 	snop  }
__scs_overlays_trampoline_lowered:
0x8: {  	[smem:$0x3FAE] =	sst s0  }
0x9: {  	[smem:$0x3FAF] =	sst s1  }
0xa: {  	[smem:$0x3FB0] =	sst s2  }
0xb: {  	[smem:$0x3FB1] =	sst s3  }
0xc: {  	[smem:$0x3FB2] =	sst s4  }
0xd: {  	[smem:$0x3FB3] =	sst s5  }
0xe: {  	[smem:$0x3FB4] =	sst s6  }
0xf: {  	[smem:$0x3FB5] =	sst s7  }
0x10: {  	[smem:$0x3FB6] =	sst s8  }
0x11: {  	[smem:$0x3FB7] =	sst s9;
	s0 =	simm.s32 @!p0 $0x0  }
0x12: {  	s1 =	sld [smem:$0x3F9D];
	s0 =	simm.s32 @p0 $0x1  }
0x13: {  	[smem:$0x3FB8] =	sst s0;
	s0 =	simm.s32 @!p1 $0x0  }
0x14: {  	s2 =	sld [smem:$0x3F9C];
	s0 =	simm.s32 @p1 $0x1  }
0x15: {  	[smem:$0x3FB9] =	sst s0;
	s0 =	simm.s32 @!p2 $0x0  }
0x16: {  	s3 =	sld [smem:$0x3FDB];
	s0 =	simm.s32 @p2 $0x1  }
0x17: {  	s4 =	simm.s32 $0x1BF5;
	[smem:$0x3FBB] =	sst s0  }
0x18: {  	s0 =	sld [smem:$0x3F9E];
	_ =	swait.ge [sflag:s4], $0x0  }
0x19: {  	s7 =	sld [smem:$0x3F9F]  }
0x1a: {  	s8 =	sadd.s32 $0xFFFFE003, lr  }
0x1b: {  	s9 =	sadd.s32 $0xFFFFFEF7, lr;
	s5 =	simm.s32 $0xFFFFFFFF;
	p2 =	slt.u32 s8, $0xFFFFF086  }
0x1c: {  	p1 =	slt.u32 s9, $0xF7A;
	s5 =	simm.s32 @!p2 $0x0  }
0x1d: {  	s5 =	simm.s32 @p1 $0x1;
	p0 =	seq.s32 s7, s2  }
0x1e: {  	s7 =	smul.u32 @!p0 $0xF7A, s2;
	p2 =	seq.s32 @!p0 s5, $0x0  }
0x1f: {  	s9 =	smul.u32 $0xF7A, s1;
	s8 =	simm.s32 @!p0 $0x1BF5;
	p2 =	por !p2, p0  }
0x20: {  	[sflag:s8] =	ssyncset.s32 @!p0 $0xFFFFF086;
	s6 =	sadd.s32 @!p0 s3, s7;
	s7 =	simm.s32 @!p0 $0x108  }
0x21: {  	s3 =	sadd.s32 s3, s9;
	s6 =	sadd.s32 @!p0 $0x88, s6;
	s7 =	simm.s32 @p2 $0x1082  }
0x22: {  	[simem:s7], [sflag:s8] =	dma.local @!p0 [hbm:s6], $0xF7A  }
0x23: {  	s9 =	sor.u32 $0xD0000000, s2;
	s6 =	simm.s32 $0x108;
	_ =	swait.ge @!p0 [sflag:s8], $0x0  }
0x24: {  	s3 =	sadd.s32 $0x88, s3;
	s6 =	simm.s32 @!p1 $0x1082;
	[sflag:s4] =	ssyncset.s32 $0xFFFFF086  }
0x25: {  	[simem:s6], [sflag:s4] =	dma.local [hbm:s3], $0xF7A  }
0x26: {  	[smem:$0x3F9F] =	sst s1;
	(tag) =	ssettag s2;
	_ =	strace s9  }
0x27: {  	s1 =	sld [smem:$0x3FAF]  }
0x28: {  	s2 =	sld [smem:$0x3FB0]  }
0x29: {  	s4 =	sld [smem:$0x3FB2]  }
0x2a: {  	p0 =	seq.s32 s5, $0x0;
	s5 =	sld [smem:$0x3FB3]  }
0x2b: {  	s6 =	sld [smem:$0x3FB4]  }
0x2c: {  	s7 =	sld [smem:$0x3FB5]  }
0x2d: {  	s3 =	simm.s32 $0x108;
	s8 =	sld [smem:$0x3FB6]  }
0x2e: {  	s3 =	simm.s32 @!p0 $0x1082;
	s9 =	sld [smem:$0x3FB7]  }
0x2f: {  	lr =	sadd.s32 s0, s3;
	s0 =	sld [smem:$0x3FAE]  }
0x30: {  	s3 =	sld [smem:$0x3FB1]  }
0x31: {  	[smem:$0x3FBA] =	sst s10  }
0x32: {  	s10 =	sld [smem:$0x3FB8];
	_ =	sdelay $0x3  }
0x33: {  	p0 =	seq.s32 s10, $0x1;
	s10 =	sld [smem:$0x3FBA];
	_ =	sdelay $0x3  }
0x34: {  	[smem:$0x3FBA] =	sst s10  }
0x35: {  	s10 =	sld [smem:$0x3FB9];
	_ =	sdelay $0x3  }
0x36: {  	p1 =	seq.s32 s10, $0x1;
	s10 =	sld [smem:$0x3FBA];
	_ =	sdelay $0x3  }
0x37: {  	[smem:$0x3FBA] =	sst s10  }
0x38: {  	s10 =	sld [smem:$0x3FBB]  }
0x39: {  	_ = 	snop;
	(pc) =	sbr.ind lr, $3  }
0x3a: {  	_ = 	snop  }
0x3b: {  	_ = 	snop  }
0x3c: {  	p2 =	seq.s32 s10, $0x1;
	s10 =	sld [smem:$0x3FBA]  }
0x3d: {  	_ =	shalt  }
0x3e: {  	_ =	shalt  }
0x3f: {  	_ =	shalt  }
0x40: {  	_ =	shalt  }
0x41: {  	_ =	shalt  }
0x42: {  	_ =	shalt  }
0x43: {  	_ =	shalt  }
0x44: {  	_ =	shalt  }
0x45: {  	_ =	shalt  }
0x46: {  	_ =	shalt  }
0x47: {  	_ =	shalt  }
0x48: {  	_ =	shalt  }
0x49: {  	_ =	shalt  }
0x4a: {  	_ =	shalt  }
0x4b: {  	_ =	shalt  }
0x4c: {  	_ =	shalt  }
0x4d: {  	_ =	shalt  }
0x4e: {  	_ =	shalt  }
0x4f: {  	_ =	shalt  }
0x50: {  	_ =	shalt  }
0x51: {  	_ =	shalt  }
0x52: {  	_ =	shalt  }
0x53: {  	_ =	shalt  }
0x54: {  	_ =	shalt  }
0x55: {  	_ =	shalt  }
0x56: {  	_ =	shalt  }
0x57: {  	_ =	shalt  }
0x58: {  	_ =	shalt  }
0x59: {  	_ =	shalt  }
0x5a: {  	_ =	shalt  }
0x5b: {  	_ =	shalt  }
0x5c: {  	_ =	shalt  }
0x5d: {  	_ =	shalt  }
0x5e: {  	_ =	shalt  }
0x5f: {  	_ =	shalt  }
0x60: {  	_ =	shalt  }
0x61: {  	_ =	shalt  }
0x62: {  	_ =	shalt  }
0x63: {  	_ =	shalt  }
0x64: {  	_ =	shalt  }
0x65: {  	_ =	shalt  }
0x66: {  	_ =	shalt  }
0x67: {  	_ =	shalt  }
0x68: {  	_ =	shalt  }
0x69: {  	_ =	shalt  }
0x6a: {  	_ =	shalt  }
0x6b: {  	_ =	shalt  }
0x6c: {  	_ =	shalt  }
0x6d: {  	_ =	shalt  }
0x6e: {  	_ =	shalt  }
0x6f: {  	_ =	shalt  }
0x70: {  	_ =	shalt  }
0x71: {  	_ =	shalt  }
0x72: {  	_ =	shalt  }
0x73: {  	_ =	shalt  }
0x74: {  	_ =	shalt  }
0x75: {  	_ =	shalt  }
0x76: {  	_ =	shalt  }
0x77: {  	_ =	shalt  }
0x78: {  	_ =	shalt  }
0x79: {  	_ =	shalt  }
0x7a: {  	_ =	shalt  }
0x7b: {  	_ =	shalt  }
0x7c: {  	_ =	shalt  }
0x7d: {  	_ =	shalt  }
0x7e: {  	_ =	shalt  }
0x7f: {  	_ =	shalt  }
0x80: {  	_ =	shalt  }
0x81: {  	_ =	shalt  }
0x82: {  	_ =	shalt  }
0x83: {  	_ =	shalt  }
0x84: {  	_ =	shalt  }
0x85: {  	_ =	shalt  }
0x86: {  	_ =	shalt  }
0x87: {  	_ =	shalt  }
.Lfunc_end0:
.L_simem_size_0:
called_computation_lowered:
.L_overlay_start_0:
0x88: {  	s2 =	sld [smem:$0x3FD9]  }
0x89: {  	s3 =	sld [smem:$0x3FFE];
	_ =	sdelay $0x1  }
0x8a: {  	s1 =	srdreg.scid  }
0x8b: {  	s0 =	sand.u32 $0x1, s1  }
0x8c: {  	s18 =	sshll.u32 s0, $0xA;
	s2 =	sadd.s32 s3, s2  }
0x8d: {  	s2 =	sadd.s32 s2, s18  }
0x8e: {  	[smem:$0x3FC6] =	sst s2  }
0x8f: {  	_ = 	snop  }
0x90: {  	s2 =	sld [smem:$0x3FC9]  }
0x91: {  	s19 =	sld [smem:$0x3FC8]  }
0x92: {  	s4 =	sld [smem:$0x3FD0];
	(tm) =	ssettm $0x1  }
0x93: {  	s5 =	sld [smem:$0x3FFB];
	_ =	sdelay $0x3  }
0x94: {  	_ =	strace s5  }
0x95: {  	s5 =	sld [smem:$0x3FFC];
	_ =	sdelay $0x3  }
0x96: {  	_ =	strace s5  }
0x97: {  	s5 =	sld [smem:$0x3FFD];
	_ =	sdelay $0x3  }
0x98: {  	_ =	strace s5  }
0x99: {  	_ =	strace $0x8FFFFFFF  }
0x9a: {  	s20 =	sld [smem:$0x3FDB];
	_ =	sdelay $0x1  }
0x9b: {  	s6 =	simm.s32 $_scs_section_size  }
0x9c: {  	s7 =	simm.s32 $_size__tile_overlayer_lowered;
	s8 =	simm.s32 $_tile_overlayer_lowered  }
0x9d: {  	s23 =	simm.s32 $0x1BFF;
	s22 =	sshll.u32 s8, $0x1;
	s5 =	sadd.s32 s6, s20  }
0x9e: {  	s9 =	simm.s32 $0x0;
	s21 =	sshll.u32 s7, $0x1;
	s7 =	sadd.s32 s22, s5  }
0x9f: {  	[timem:s9], [sflag:s23] =	dma.local [hbm:s7], s21  }
0xa0: {  	_ =	swait.ge [sflag:s23], s21  }
0xa1: {  	s6 =	ssub.s32 $0x0, s21;
	[sflag:s23] =	ssyncset.done $0x0  }
0xa2: {  	[sflag:s23] =	ssyncadd.s32 s6;
	_ =	sdelay $0x1  }
0xa3: {  	s24 =	simm.s32 $0x1B8B  }
0xa4: {  	_ =	swait.ge [sflag:s24], $0x1  }
0xa5: {  	[sflag:s24] =	ssyncset.done $0x0  }
0xa6: {  	s25 =	simm.s32 $0x1B8E;
	[sflag:s24] =	ssyncadd.s32 $0xFFFFFFFF  }
0xa7: {  	s26 =	simm.s32 $execute0_lowered;
	[smem:$0x3FD2] =	sst s25  }
0xa8: {  	s6 =	sshll.u32 s26, $0x1;
	_ =	strace $0x80000046;
	[dreg:$0x1] =	wrdreg $0xFFFFFFFF  }
0xa9: {  	s28 =	simm.s32 $_size_execute0_lowered;
	s5 =	sadd.s32 s5, s6;
	[dreg:$0x0] =	wrdreg $0x0  }
0xaa: {  	s6 =	sshll.u32 s28, $0x1;
	[dreg:$0x2] =	wrdreg s5  }
0xab: {  	[dreg:$0x3] =	wrdreg s6  }
0xac: {  	[dreg:$0x4] =	wrdreg $0xC0  }
0xad: {  	_ =	task [dreg:s9], $0x5FFFF  }
0xae: {  	[dreg:$0x1] =	wrdreg $0xFFFFFFFF  }
0xaf: {  	[dreg:$0x0] =	wrdreg $0x60  }
0xb0: {  	[dreg:$0x2] =	wrdreg s19  }
0xb1: {  	[dreg:$0x3] =	wrdreg s2  }
0xb2: {  	[dreg:$0x4] =	wrdreg s4  }
0xb3: {  	[dreg:$0x5] =	wrdreg $0x9  }
0xb4: {  	_ =	task.clear_ibuf [dreg:s9], $0x6FFFF;
	_ =	strace $0x90000046  }
0xb5: {  	s29 =	simm.s32 $0x9;
	_ =	strace $0x80000048  }
0xb6: {  	_ =	swait.ge [sflag:s29], $0x1  }
0xb7: {  	[sflag:s29] =	ssyncadd.s32 $0xFFFFFFFF  }
0xb8: {  	_ =	strace $0x90000048  }
0xb9: {  	_ =	sfence  }
0xba: {  	s30 =	sld [smem:$0x0];
	_ =	sdelay $0x2  }
0xbb: {  	s31 =	sshll.u32 s1, $0xD;
	s1 =	sshrl.u32 s1, $0x2  }
0xbc: {  	s3 =	sand.u32 $0x4000, s31;
	s1 =	sadd.s32 s1, s30  }
0xbd: {  	s0 =	sor.u32 s3, s0;
	s1 =	sshll.u32 s1, $0x11  }
0xbe: {  	s0 =	sor.u32 s1, s0  }
0xbf: {  	s0 =	sadd.s32 $0x8F2B, s0  }
0xc0: {  	[sflag:s0] =	ssyncadd.remote.s32 $0x1  }
0xc1: {  	_ =	sfence.sel $0xFFFF  }
0xc2: {  	[dreg:$0x0] =	wrdreg $0xFFFFFFFF;
	(pc) =	sbr.abs _section_cstart, $3  }
0xc3: {  	[dreg:$0x1] =	wrdreg $0xFFFFFFFF  }
0xc4: {  	_ =	task.clear_ibuf [dreg:s9], $0x2FFFF;
	_ =	strace $0x9FFFFFFF  }
0xc5: {  	(tm) =	ssettm $0x7FFFFFFF  }
tec
execute0_lowered:
.L_overlay_start_1:
0x0: {  	(tag) =	ssettag $0x1  }
0x1: {  	s0 =	rddreg [dreg:$0x0]  }
0x2: {  	s2 =	rddreg [dreg:$0x1]  }
0x3: {  	s1 =	rddreg [dreg:$0x2]  }
0x4: {  	s3 =	srdreg.scid;
	s10 =	stileid.u32;
	s16 =	simm.s32 $0xC00  }
0x5: {  	s17 =	simm.s32 $0x9;
	s18 =	simm.s32 $0x80;
	s19 =	simm.s32 $0x1000  }
0x6: {  	s20 =	simm.s32 $0x5000;
	s22 =	simm.s32 $0x9000;
	s28 =	simm.s32 $0x3  }
0x7: {  	s29 =	simm.s32 $0x4;
	s30 =	simm.s32 $0x5;
	s31 =	simm.s32 $0x6  }
0x8: {  	s15 =	simm.s32 $0x0;
	s11 =	sand.u32 $0x1, s3;
	s3 =	simm.s32 $0x0  }
0x9: {  	s4 =	sshll.u32 s10, $0x8;
	s12 =	sshll.u32 s10, $0xC;
	s5 =	sshll.u32 s11, $0x7  }
0xa: {  	[smem:$0x7FF] =	sst s3;
	s6 =	ssub.s32 $0x2, s11;
	s13 =	sshll.u32 s11, $0xB  }
0xb: {  	s4 =	sor.u32 s5, s4;
	_ =	strace $0x80000047;
	s23 =	sshrl.u32 s6, $0x1  }
0xc: {  	s7 =	sshll.u32 s4, $0x4;
	s8 =	ssub.s32 s6, s23;
	s4 =	sadd.s32 s0, s4  }
0xd: {  	s0 =	simm.s32 $0x7;
	s24 =	sadd.s32 s7, s1;
	s25 =	sadd.s32 $0x3000, s4  }
0xe: {  	s8 =	smax.u32 s8, $0x1;
	s1 =	sadd.s32 s12, s1;
	[dreg:$0x4] =	wrdreg s25  }
0xf: {  	s26 =	sadd.s32 $0x180000, s24;
	s7 =	sadd.s32 $0x190000, s24;
	s9 =	sadd.s32 $0x140000, s24  }
0x10: {  	s10 =	sadd.s32 $0x150000, s24;
	s11 =	sadd.s32 $0x160000, s24;
	s12 =	sadd.s32 $0x170000, s24  }
0x11: {  	s13 =	sadd.s32 s13, s1;
	s24 =	simm.s32 $0xD000;
	s25 =	simm.s32 $0x1  }
0x12: {  	s1 =	simm.s32 $0x8;
	[dreg:$0x5] =	wrdreg s26;
	s26 =	simm.s32 $0x2  }
.LBB2_1:
0x13: {  	s5 =	simm.s32 $0x400;
	s6 =	simm.s32 $0x8000  }
0x14: {  	[tilespmem:s3], [sflag:$0x9] =	stream.strided.gather [hbm4b:s4+s5], $0xC00, s6, s5, $0x38;
	[tilespmem:$0x11000] =	vst v63  }
0x15: {  	s14 =	rddreg [dreg:$0x4]  }
0x16: {  	[tilespmem:s16], [sflag:$0x9] =	stream.linear.gather [hbm4b:s14+s3], $0x100, $0x38;
	[tilespmem:$0x11000] =	vst v63  }
0x17: {  	_ =	swait.ge [sflag:s17], $0xD00  }
0x18: {  	[sflag:s17] =	ssyncset.done $0x0  }
0x19: {  	[sflag:s17] =	ssyncadd.s32 $0xFFFFF300  }
0x1a: {  	[tilespmem:s19], [sflag:$0x1] =	stream.indirect.gather [hbm4b:s2+s18], $0x80, s3, s18, $0xb8;
	[tilespmem:$0x11000] =	vst v63  }
0x1b: {  	_ = 	snop  }
0x1c: {  	[tilespmem:s20], [sflag:$0x2] =	stream.indirect.gather [hbm4b:s2+s18], $0x80, s18, s18, $0xb8;
	[tilespmem:$0x11000] =	vst v63  }
0x1d: {  	s21 =	simm.s32 $0x100  }
0x1e: {  	[tilespmem:s22], [sflag:$0x3] =	stream.indirect.gather [hbm4b:s2+s18], $0x80, s21, s18, $0xb8;
	[tilespmem:$0x11000] =	vst v63  }
0x1f: {  	s23 =	simm.s32 $0x180  }
0x20: {  	[tilespmem:s24], [sflag:$0x4] =	stream.indirect.gather [hbm4b:s2+s18], $0x80, s23, s18, $0xb8;
	[tilespmem:$0x11000] =	vst v63  }
0x21: {  	_ =	swait.ge [sflag:s25], $0x4000  }
0x22: {  	[sflag:s25] =	ssyncset.done $0x0  }
0x23: {  	s14 =	sadd.s32 $0x0, s13;
	[sflag:s25] =	ssyncadd.s32 $0xFFFFC000  }
0x24: {  	[hbm4b:s14+s3] =	stream.linear.scatter [tilespmem:s19], [sflag:$0x5], $0x4000, $0x38;
	[tilespmem:$0x11000] =	vst v63  }
0x25: {  	_ =	swait.ge [sflag:s26], $0x4000  }
0x26: {  	[sflag:s26] =	ssyncset.done $0x0  }
0x27: {  	s21 =	sadd.s32 $0x10000, s14;
	[sflag:s26] =	ssyncadd.s32 $0xFFFFC000  }
0x28: {  	[hbm4b:s21+s3] =	stream.linear.scatter [tilespmem:s20], [sflag:$0x6], $0x4000, $0x38;
	[tilespmem:$0x11000] =	vst v63  }
0x29: {  	_ =	swait.ge [sflag:s28], $0x4000  }
0x2a: {  	[sflag:s28] =	ssyncset.done $0x0  }
0x2b: {  	s5 =	sadd.s32 $0x20000, s14;
	[sflag:s28] =	ssyncadd.s32 $0xFFFFC000  }
0x2c: {  	[hbm4b:s5+s3] =	stream.linear.scatter [tilespmem:s22], [sflag:$0x7], $0x4000, $0x38;
	[tilespmem:$0x11000] =	vst v63  }
0x2d: {  	_ =	swait.ge [sflag:s29], $0x4000  }
0x2e: {  	[sflag:s29] =	ssyncset.done $0x0  }
0x2f: {  	s14 =	sadd.s32 $0x30000, s14;
	[sflag:s29] =	ssyncadd.s32 $0xFFFFC000  }
0x30: {  	[hbm4b:s14+s3] =	stream.linear.scatter [tilespmem:s24], [sflag:$0x8], $0x4000, $0x38;
	[tilespmem:$0x11000] =	vst v63  }
0x31: {  	_ =	swait.ge [sflag:s30], $0x4000  }
0x32: {  	[sflag:s30] =	ssyncset.done $0x0  }
0x33: {  	s6 =	simm.s32 $0x200;
	[sflag:s30] =	ssyncadd.s32 $0xFFFFC000  }
0x34: {  	[tilespmem:s19], [sflag:$0x1] =	stream.indirect.gather [hbm4b:s2+s18], $0x80, s6, s18, $0xb8;
	[tilespmem:$0x11000] =	vst v63  }
0x35: {  	_ =	swait.ge [sflag:s31], $0x4000  }
0x36: {  	[sflag:s31] =	ssyncset.done $0x0  }
0x37: {  	s21 =	simm.s32 $0x280;
	[sflag:s31] =	ssyncadd.s32 $0xFFFFC000  }
0x38: {  	[tilespmem:s20], [sflag:$0x2] =	stream.indirect.gather [hbm4b:s2+s18], $0x80, s21, s18, $0xb8;
	[tilespmem:$0x11000] =	vst v63  }
0x39: {  	_ =	swait.ge [sflag:s0], $0x4000  }
0x3a: {  	[sflag:s0] =	ssyncset.done $0x0  }
0x3b: {  	s23 =	simm.s32 $0x300;
	[sflag:s0] =	ssyncadd.s32 $0xFFFFC000  }
0x3c: {  	[tilespmem:s22], [sflag:$0x3] =	stream.indirect.gather [hbm4b:s2+s18], $0x80, s23, s18, $0xb8;
	[tilespmem:$0x11000] =	vst v63  }
0x3d: {  	_ =	swait.ge [sflag:s1], $0x4000  }
0x3e: {  	s14 =	simm.s32 $0x580;
	[sflag:s1] =	ssyncset.done $0x0  }
0x3f: {  	s21 =	simm.s32 $0x380;
	s23 =	simm.s32 $0x40000;
	[sflag:s1] =	ssyncadd.s32 $0xFFFFC000  }
.LBB2_2:
0x40: {  	[tilespmem:s24], [sflag:$0x4] =	stream.indirect.gather [hbm4b:s2+s18], $0x80, s21, s18, $0xb8;
	[tilespmem:$0x11000] =	vst v63  }
0x41: {  	s5 =	smov.u32 s23;
	s21 =	smov.u32 s14  }
0x42: {  	p0 =	sne.s32 s23, $0x100000;
	s23 =	sadd.s32 $0x40000, s23;
	_ =	swait.ge [sflag:s25], $0x4000  }
0x43: {  	[sflag:s25] =	ssyncset.done $0x0  }
0x44: {  	s5 =	sadd.s32 s5, s13;
	[sflag:s25] =	ssyncadd.s32 $0xFFFFC000  }
0x45: {  	[hbm4b:s5+s3] =	stream.linear.scatter [tilespmem:s19], [sflag:$0x5], $0x4000, $0x38;
	[tilespmem:$0x11000] =	vst v63  }
0x46: {  	_ =	swait.ge [sflag:s26], $0x4000  }
0x47: {  	[sflag:s26] =	ssyncset.done $0x0  }
0x48: {  	s6 =	sadd.s32 $0x10000, s5;
	[sflag:s26] =	ssyncadd.s32 $0xFFFFC000  }
0x49: {  	[hbm4b:s6+s3] =	stream.linear.scatter [tilespmem:s20], [sflag:$0x6], $0x4000, $0x38;
	[tilespmem:$0x11000] =	vst v63  }
0x4a: {  	_ =	swait.ge [sflag:s28], $0x4000  }
0x4b: {  	[sflag:s28] =	ssyncset.done $0x0  }
0x4c: {  	s6 =	sadd.s32 $0x20000, s5;
	[sflag:s28] =	ssyncadd.s32 $0xFFFFC000  }
0x4d: {  	[hbm4b:s6+s3] =	stream.linear.scatter [tilespmem:s22], [sflag:$0x7], $0x4000, $0x38;
	[tilespmem:$0x11000] =	vst v63  }
0x4e: {  	_ =	swait.ge [sflag:s29], $0x4000  }
0x4f: {  	[sflag:s29] =	ssyncset.done $0x0  }
0x50: {  	s5 =	sadd.s32 $0x30000, s5;
	[sflag:s29] =	ssyncadd.s32 $0xFFFFC000  }
0x51: {  	[hbm4b:s5+s3] =	stream.linear.scatter [tilespmem:s24], [sflag:$0x8], $0x4000, $0x38;
	[tilespmem:$0x11000] =	vst v63  }
0x52: {  	_ =	swait.ge [sflag:s30], $0x4000  }
0x53: {  	[sflag:s30] =	ssyncset.done $0x0  }
0x54: {  	s5 =	sadd.s32 $0xFFFFFE80, s14;
	[sflag:s30] =	ssyncadd.s32 $0xFFFFC000  }
0x55: {  	[tilespmem:s19], [sflag:$0x1] =	stream.indirect.gather [hbm4b:s2+s18], $0x80, s5, s18, $0xb8;
	[tilespmem:$0x11000] =	vst v63  }
0x56: {  	_ =	swait.ge [sflag:s31], $0x4000  }
0x57: {  	[sflag:s31] =	ssyncset.done $0x0  }
0x58: {  	s5 =	sadd.s32 $0xFFFFFF00, s14;
	[sflag:s31] =	ssyncadd.s32 $0xFFFFC000  }
0x59: {  	[tilespmem:s20], [sflag:$0x2] =	stream.indirect.gather [hbm4b:s2+s18], $0x80, s5, s18, $0xb8;
	[tilespmem:$0x11000] =	vst v63  }
0x5a: {  	_ =	swait.ge [sflag:s0], $0x4000  }
0x5b: {  	[sflag:s0] =	ssyncset.done $0x0  }
.Ltmp0:
0x5c: {  	s5 =	sadd.s32 $0xFFFFFF80, s14;
	[sflag:s0] =	ssyncadd.s32 $0xFFFFC000;
	(pc) =	sbr.rel @p0 .LBB2_2-.Ltmp0, $4  }
0x5d: {  	[tilespmem:s22], [sflag:$0x3] =	stream.indirect.gather [hbm4b:s2+s18], $0x80, s5, s18, $0xb8;
	[tilespmem:$0x11000] =	vst v63  }
0x5e: {  	_ =	swait.ge [sflag:s1], $0x4000  }
0x5f: {  	[sflag:s1] =	ssyncset.done $0x0  }
0x60: {  	s14 =	sadd.s32 $0x200, s14;
	[sflag:s1] =	ssyncadd.s32 $0xFFFFC000  }
0x61: {  	[tilespmem:s24], [sflag:$0x4] =	stream.indirect.gather [hbm4b:s2+s18], $0x80, s21, s18, $0xb8;
	[tilespmem:$0x11000] =	vst v63  }
0x62: {  	_ =	swait.ge [sflag:s25], $0x4000  }
0x63: {  	[sflag:s25] =	ssyncset.done $0x0  }
0x64: {  	[sflag:s25] =	ssyncadd.s32 $0xFFFFC000  }
0x65: {  	[hbm4b:s9+s3] =	stream.linear.scatter [tilespmem:s19], [sflag:$0x5], $0x4000, $0x38;
	[tilespmem:$0x11000] =	vst v63  }
0x66: {  	_ =	swait.ge [sflag:s26], $0x4000  }
0x67: {  	[sflag:s26] =	ssyncset.done $0x0  }
0x68: {  	[sflag:s26] =	ssyncadd.s32 $0xFFFFC000  }
0x69: {  	[hbm4b:s10+s3] =	stream.linear.scatter [tilespmem:s20], [sflag:$0x6], $0x4000, $0x38;
	[tilespmem:$0x11000] =	vst v63  }
0x6a: {  	_ =	swait.ge [sflag:s28], $0x4000  }
0x6b: {  	[sflag:s28] =	ssyncset.done $0x0  }
0x6c: {  	[sflag:s28] =	ssyncadd.s32 $0xFFFFC000  }
0x6d: {  	[hbm4b:s11+s3] =	stream.linear.scatter [tilespmem:s22], [sflag:$0x7], $0x4000, $0x38;
	[tilespmem:$0x11000] =	vst v63  }
0x6e: {  	_ =	swait.ge [sflag:s29], $0x4000  }
0x6f: {  	[sflag:s29] =	ssyncset.done $0x0  }
0x70: {  	[sflag:s29] =	ssyncadd.s32 $0xFFFFC000  }
0x71: {  	[hbm4b:s12+s3] =	stream.linear.scatter [tilespmem:s24], [sflag:$0x8], $0x4000, $0x38;
	[tilespmem:$0x11000] =	vst v63  }
0x72: {  	_ =	swait.ge [sflag:s30], $0x4000  }
0x73: {  	[sflag:s30] =	ssyncset.done $0x0  }
0x74: {  	[sflag:s30] =	ssyncadd.s32 $0xFFFFC000  }
0x75: {  	[tilespmem:s19], [sflag:$0x1] =	stream.indirect.gather [hbm4b:s2+s18], $0x80, s16, s18, $0xb8;
	[tilespmem:$0x11000] =	vst v63  }
0x76: {  	_ =	swait.ge [sflag:s31], $0x4000  }
0x77: {  	[sflag:s31] =	ssyncset.done $0x0  }
0x78: {  	s5 =	simm.s32 $0xC80;
	[sflag:s31] =	ssyncadd.s32 $0xFFFFC000  }
0x79: {  	[tilespmem:s20], [sflag:$0x2] =	stream.indirect.gather [hbm4b:s2+s18], $0x80, s5, s18, $0xb8;
	[tilespmem:$0x11000] =	vst v63  }
0x7a: {  	_ =	swait.ge [sflag:s25], $0x4000  }
0x7b: {  	[sflag:s25] =	ssyncset.done $0x0  }
0x7c: {  	s23 =	rddreg [dreg:$0x5];
	[sflag:s25] =	ssyncadd.s32 $0xFFFFC000  }
0x7d: {  	[hbm4b:s23+s3] =	stream.linear.scatter [tilespmem:s19], [sflag:$0x5], $0x4000, $0x38;
	[tilespmem:$0x11000] =	vst v63  }
0x7e: {  	_ =	swait.ge [sflag:s26], $0x4000  }
0x7f: {  	[sflag:s26] =	ssyncset.done $0x0  }
0x80: {  	[sflag:s26] =	ssyncadd.s32 $0xFFFFC000  }
0x81: {  	[hbm4b:s7+s3] =	stream.linear.scatter [tilespmem:s20], [sflag:$0x6], $0x4000, $0x38;
	[tilespmem:$0x11000] =	vst v63  }
0x82: {  	_ =	swait.ge [sflag:s30], $0x4000  }
0x83: {  	[sflag:s30] =	ssyncset.done $0x0  }
0x84: {  	[sflag:s30] =	ssyncadd.s32 $0xFFFFC000  }
0x85: {  	_ =	swait.ge [sflag:s31], $0x4000  }
0x86: {  	[sflag:s31] =	ssyncset.done $0x0  }
0x87: {  	s15 =	sadd.s32 $0x1, s15;
	[sflag:s31] =	ssyncadd.s32 $0xFFFFC000  }
0x88: {  	p0 =	sne.s32 s15, s8;
	_ =	swait.ge [sflag:s0], $0x4000  }
.Ltmp1:
0x89: {  	[sflag:s0] =	ssyncset.done $0x0;
	(pc) =	sbr.rel @p0 .LBB2_1-.Ltmp1, $4  }
0x8a: {  	[sflag:s0] =	ssyncadd.s32 $0xFFFFC000  }
0x8b: {  	_ =	swait.ge [sflag:s1], $0x4000  }
0x8c: {  	[sflag:s1] =	ssyncset.done $0x0  }
0x8d: {  	[sflag:s1] =	ssyncadd.s32 $0xFFFFC000  }
0x8e: {  	_ =	sfence.sel $0x180000  }
0x8f: {  	[bflag:$0x0] =	sbarrier.arrive $0xFFFF  }
0x90: {  	_ =	strace $0x90000047  }
0x91: {  	s0 =	stileid.u32;
	[bflag:$0x2] =	sbarrier.arrive $0xFFFF  }
0x92: {  	p0 =	sne.s32 s0, $0x0;
	s0 =	rddreg [dreg:$0x3]  }
0x93: {  	s0 =	sadd.s32 @!p0 $0x100000, s0  }
0x94: {  	[sflag:s0] =	ssyncadd.tile.s32 @!p0 $0x1;
	_ =	shalt  }
.Lfunc_end2:
_tile_overlayer_lowered:
.L_overlay_start_2:
0x95: {  	(tag) =	ssettag $0x2  }
0x96: {  	s0 =	rddreg [dreg:$0x0];
	s2 =	stileid.u32  }
0x97: {  	s1 =	rddreg [dreg:$0x1];
	p0 =	sne.s32 s2, $0x0  }
0x98: {  	s3 =	rddreg [dreg:$0x2];
	[bflag:$0x3] =	sbarrier.arrive $0xFFFF;
	s2 =	simm.s32 @!p0 $0x1C09  }
0x99: {  	[timem:s3], [sflag:s2] =	dma.local @!p0 [hbm:s0], s1  }
0x9a: {  	s0 =	simm.s32 @!p0 $0x9  }
0x9b: {  	_ =	swait.ge @!p0 [sflag:s0], s1  }
0x9c: {  	s1 =	ssub.s32 @!p0 $0x0, s1;
	[sflag:s0] =	ssyncset.done @!p0 $0x0  }
0x9d: {  	[sflag:s0] =	ssyncadd.s32 @!p0 s1  }
0x9e: {  	[bflag:$0x3] =	sbarrier.arrive $0xFFFF  }
0x9f: {  	_ =	shalt  }

</sc_bundles>
